<compile_context>
chip_gen: v7x
topology: tpu7x:2x2x1
jax: 0.10.2.dev20260603
libtpu: 0.0.44.dev20260713+nightly
codegen_flags: <defaults>
</compile_context>

<pallas_src>
import functools
import math

import jax
import jax.numpy as jnp
from jax import lax
from jax.experimental import pallas as pl
from jax.experimental.pallas import tpu as pltpu
from jax.experimental.pallas import tpu_sc as plsc

_N = 512
_V = 8
_LANES = 16
_W = 2 * _N

_T = tuple(math.ceil(16.0 * 2.0 ** (k / 16.0)) for k in range(1, 16))


def _sc_bias(weight32):
    info = plsc.get_sparse_core_info()
    nc, ns = info.num_cores, info.num_subcores
    nw = nc * ns
    rows_per_w = _N // nw
    mesh = plsc.VectorSubcoreMesh(core_axis_name="c", subcore_axis_name="s")

    @functools.partial(
        pl.kernel,
        mesh=mesh,
        out_type=jax.ShapeDtypeStruct((_V, _N, _V * _N), jnp.float32),
        scratch_types=[
            pltpu.VMEM((32,), jnp.float32),
            pltpu.VMEM((_W,), jnp.float32),
            pltpu.VMEM((rows_per_w, _N), jnp.float32),
            pltpu.SemaphoreType.DMA,
        ],
    )
    def run(wt_hbm, out_hbm, wt_vm, win, buf, sem):
        wid = lax.axis_index("s") * nc + lax.axis_index("c")
        row0 = wid * rows_per_w
        pltpu.sync_copy(wt_hbm, wt_vm)
        lanes = lax.iota(jnp.int32, _LANES)

        wlo = wt_vm[pl.ds(0, _LANES)]
        whi = wt_vm[pl.ds(_LANES, _LANES)]
        w31 = jnp.full((_LANES,), whi[15], jnp.float32)

        def fill31(c, carry):
            win[pl.ds(c * _LANES, _LANES)] = w31
            return carry

        lax.fori_loop(0, (_N - 32) // _LANES, fill31, 0)
        assert [sum(1 for t in _T if 31 - l >= t) for l in range(_LANES)] == [
            15 - l + (1 if 4 <= l <= 11 else 0) for l in range(_LANES)
        ]
        plateau = jnp.logical_and(lanes >= 4, lanes <= 11)
        idx = 15 - lanes + jnp.where(plateau, 1, 0)
        win[pl.ds(_N - 32, _LANES)] = jnp.take(whi, idx)
        win[pl.ds(_N - 16, _LANES)] = lax.rev(wlo, (0,))
        w0 = jnp.full((_LANES,), wlo[0], jnp.float32)

        def fill0(c, carry):
            win[pl.ds(c * _LANES, _LANES)] = w0
            return carry

        lax.fori_loop(_N // _LANES, _W // _LANES, fill0, 0)

        g_rows = 8
        n_groups = rows_per_w // g_rows

        def build_one(t, carry):
            off = (_N - 1) - (row0 + t)

            def chunk(q, c2):
                buf[t, pl.ds(q * _LANES, _LANES)] = win[
                    pl.ds(off + q * _LANES, _LANES)
                ]
                return c2

            lax.fori_loop(0, _N // _LANES, chunk, 0)
            return carry

        def drain_group():
            def drain(q, carry):
                pltpu.make_async_copy(
                    buf.at[pl.ds(0, g_rows), :],
                    out_hbm.at[0, pl.ds(row0, g_rows), pl.ds(0, _N)],
                    sem,
                ).wait()
                return carry

            lax.fori_loop(0, _V * _V, drain, 0)

        def group(g, carry):
            lax.fori_loop(g * g_rows, (g + 1) * g_rows, build_one, 0)

            def issue(q, c2):
                k = q // _V
                c = q - k * _V
                pltpu.async_copy(
                    buf.at[pl.ds(g * g_rows, g_rows), :],
                    out_hbm.at[
                        k,
                        pl.ds(row0 + g * g_rows, g_rows),
                        pl.ds(c * _N, _N),
                    ],
                    sem,
                )
                return c2

            lax.fori_loop(0, _V * _V, issue, 0)

            @pl.when(g >= 2)
            def _():
                drain_group()

            return carry

        lax.fori_loop(0, n_groups, group, 0)
        for _ in range(min(n_groups, 2)):
            drain_group()

    return run(weight32)


def kernel(n_vars, n_tokens, weight):
    del n_vars, n_tokens
    out = _sc_bias(weight.reshape(32))
    return out.reshape(1, 1, _V * _N, _V * _N)

# --- scband reference (transcript-rebuilt; emitter-appended) ---
"""Pipeline reference for scband-t5-attention-bias-80410377716260 (READ-ONLY COPY).

The authoritative reference and input builder live on the scoring server;
editing this copy changes nothing except your own understanding.
"""

import jax, jax.numpy as jnp
import numpy as np
import math


def _relative_position_bucket(relative_position, bidirectional=False, num_buckets=32, max_distance=32):
    relative_buckets = jnp.zeros_like(relative_position)
    if bidirectional:
        num_buckets //= 2
        relative_buckets = relative_buckets + (relative_position > 0).astype(jnp.int32) * num_buckets
        relative_position = jnp.abs(relative_position)
    else:
        relative_position = -jnp.minimum(relative_position, jnp.zeros_like(relative_position))
    max_exact = num_buckets // 2
    is_small = relative_position < max_exact
    rp_safe = jnp.maximum(relative_position, 1).astype(jnp.float32)
    relative_position_if_large = max_exact + (jnp.log(rp_safe / max_exact) / math.log(max_distance / max_exact) * (num_buckets - max_exact)).astype(jnp.int32)
    relative_position_if_large = jnp.minimum(relative_position_if_large, jnp.full_like(relative_position_if_large, num_buckets - 1))
    relative_buckets = relative_buckets + jnp.where(is_small, relative_position, relative_position_if_large)
    return relative_buckets


def setup_inputs(seed: int = 0) -> dict:
    key = jax.random.key(seed)
    # nn.Embedding(num_buckets=32, 1) weight, N(0,1) init like torch default
    weight = jax.random.normal(jax.random.fold_in(key, 1), (32, 1), dtype=jnp.float32)
    return {"n_vars": 8, "n_tokens": 512, "weight": weight}


def reference(n_vars, n_tokens, weight):
    n_tokens_static = 512
    n_vars_static = 8
    tokens_zero = (jnp.asarray(n_tokens, dtype=jnp.int32) - jnp.asarray(n_tokens, dtype=jnp.int32))
    vars_zero = (jnp.asarray(n_vars, dtype=jnp.float32) - jnp.asarray(n_vars, dtype=jnp.float32))
    context_position = (jnp.arange(n_tokens_static, dtype=jnp.int32) + tokens_zero)[:, None]
    memory_position = jnp.arange(n_tokens_static, dtype=jnp.int32)[None, :]
    relative_position = memory_position - context_position
    bucket = _relative_position_bucket(relative_position, bidirectional=False, num_buckets=32, max_distance=32)
    # embedding lookup: gather rows of weight by bucket index
    bias = jnp.take(weight, bucket, axis=0).squeeze(-1)
    bias = bias.reshape(1, 1, bias.shape[0], bias.shape[1])
    mask1 = jnp.ones((n_vars_static, n_vars_static), dtype=jnp.float32) + vars_zero
    final_bias = jnp.kron(mask1, bias)
    return final_bias

if __name__ == "__main__":
    import jax
    _d = setup_inputs()
    print(jax.jit(kernel)(*tuple(_d.values())))

</pallas_src>

<mosaic_0001>
#map = affine_map<(d0, d1) -> (0)>
#map1 = affine_map<(d0, d1) -> (0, 0, 0)>
module attributes {stable_mosaic.version = 14 : i64} {
  func.func @run(%arg0: i32, %arg1: i32, %arg2: memref<32xf32, #tpu.memory_space<hbm>>, %arg3: memref<8x512x4096xf32, #tpu.memory_space<hbm>>, %arg4: memref<32xf32, #tpu.memory_space<vmem>>, %arg5: memref<1024xf32, #tpu.memory_space<vmem>>, %arg6: memref<16x512xf32, #tpu.memory_space<vmem>>, %arg7: memref<!tpu.dma_semaphore, #tpu.memory_space<semaphore_mem>>) attributes {dimension_semantics = [#tpu.dimension_semantics<core_parallel>, #tpu.dimension_semantics<subcore_parallel>], iteration_bounds = array<i64: 2, 16>, scalar_prefetch = 0 : i64, scratch_operands = 4 : i64, tpu.core_type = #tpu.core_type<sc_vector_subcore>, window_params = [{transform_indices = #map}, {transform_indices = #map1}]} {
    %mul3A = arith.constant 2 : i32
    %mul3A_0 = arith.muli %arg1, %mul3A : i32
    %add3A = arith.addi %mul3A_0, %arg0 : i32
    %mul3A_1 = arith.constant 16 : i32
    %mul3A_2 = arith.muli %add3A, %mul3A_1 : i32
    "tpu.region"() ({
      %run_scoped3A = tpu.sem_alloc : memref<!tpu.dma_semaphore, #tpu.memory_space<semaphore_mem>>
      tpu.enqueue_dma source(%arg2 : memref<32xf32, #tpu.memory_space<hbm>>) target(%arg4 : memref<32xf32, #tpu.memory_space<vmem>>) target_semaphore(%run_scoped3A : memref<!tpu.dma_semaphore, #tpu.memory_space<semaphore_mem>>)
      tpu.wait_dma2 semaphore(%run_scoped3A : memref<!tpu.dma_semaphore, #tpu.memory_space<semaphore_mem>>) src(%arg2 : memref<32xf32, #tpu.memory_space<hbm>>) dst(%arg4 : memref<32xf32, #tpu.memory_space<vmem>>)
      tpu.yield
    }) : () -> ()
    %iota3A = tpu.iota {dimensions = array<i32: 0>} : vector<16xi32>
    %get3A = arith.constant 0 : index
    %get3A_3 = tpu.vector_load %arg4[%get3A] {strides = array<i32>} : memref<32xf32, #tpu.memory_space<vmem>>, vector<16xf32>,
    %get3A_4 = vector.shape_cast %get3A_3 : vector<16xf32> to vector<16xf32>
    %get3A_5 = arith.constant 16 : index
    %get3A_6 = tpu.vector_load %arg4[%get3A_5] {strides = array<i32>} : memref<32xf32, #tpu.memory_space<vmem>>, vector<16xf32>,
    %get3A_7 = vector.shape_cast %get3A_6 : vector<16xf32> to vector<16xf32>
    %slice3A = vector.extract_strided_slice %get3A_7 {offsets = [15], sizes = [1], strides = [1]} : vector<16xf32> to vector<1xf32>
    %squeeze3A = vector.extract %slice3A[0] : f32 from vector<1xf32>
    %broadcast_in_dim3A = vector.broadcast %squeeze3A : f32 to vector<16xf32>
    %scan3A = arith.constant 0 : i32
    %scan3A_8 = arith.constant 0 : i32
    %scan3A_9 = arith.constant 30 : i32
    %scan3A_10 = arith.addi %scan3A_8, %scan3A_9 : i32
    %scan3A_11 = arith.constant 1 : i32
    scf.for %scan3A_69 = %scan3A_8 to %scan3A_10 step %scan3A_11  : i32 {
      %mul3A_70 = arith.constant 16 : i32
      %mul3A_71 = arith.muli %scan3A_69, %mul3A_70 : i32
      %swap3A_72 = arith.index_cast %mul3A_71 : i32 to index
      %swap3A_73 = tpu.vector_load %arg5[%swap3A_72] {strides = array<i32>} : memref<1024xf32, #tpu.memory_space<vmem>>, vector<16xf32>,
      %swap3A_74 = vector.shape_cast %swap3A_73 : vector<16xf32> to vector<16xf32>
      %swap3A_75 = vector.shape_cast %broadcast_in_dim3A : vector<16xf32> to vector<16xf32>
      tpu.vector_store %arg5[%swap3A_72], %swap3A_75 {strides = array<i32>} : memref<1024xf32, #tpu.memory_space<vmem>>, vector<16xf32>,
    }
    %scan3A_12 = arith.constant 30 : i32
    %ge3A = arith.constant 4 : i32
    %ge3A_13 = vector.broadcast %ge3A : i32 to vector<16xi32>
    %ge3A_14 = arith.cmpi sge, %iota3A, %ge3A_13 : vector<16xi32>
    %le3A = arith.constant 11 : i32
    %le3A_15 = vector.broadcast %le3A : i32 to vector<16xi32>
    %le3A_16 = arith.cmpi sle, %iota3A, %le3A_15 : vector<16xi32>
    %and3A = arith.andi %ge3A_14, %le3A_16 : vector<16xi1>
    %sub3A = arith.constant 15 : i32
    %sub3A_17 = vector.broadcast %sub3A : i32 to vector<16xi32>
    %sub3A_18 = arith.subi %sub3A_17, %iota3A : vector<16xi32>
    %jit3A = arith.constant 1 : i32
    %jit3A_19 = arith.constant 0 : i32
    %broadcast_in_dim3A_20 = vector.broadcast %jit3A : i32 to vector<16xi32>
    %broadcast_in_dim3A_21 = vector.broadcast %jit3A_19 : i32 to vector<16xi32>
    %select_n3A = arith.select %and3A, %broadcast_in_dim3A_20, %broadcast_in_dim3A_21 : vector<16xi1>, vector<16xi32>
    %add3A_22 = arith.addi %sub3A_18, %select_n3A : vector<16xi32>
    %lt3A = arith.constant 0 : i32
    %lt3A_23 = vector.broadcast %lt3A : i32 to vector<16xi32>
    %lt3A_24 = arith.cmpi slt, %add3A_22, %lt3A_23 : vector<16xi32>
    %add3A_25 = arith.constant 16 : i32
    %add3A_26 = vector.broadcast %add3A_25 : i32 to vector<16xi32>
    %add3A_27 = arith.addi %add3A_22, %add3A_26 : vector<16xi32>
    %select_n3A_28 = arith.select %lt3A_24, %add3A_27, %add3A_22 : vector<16xi1>, vector<16xi32>
    %broadcast_in_dim3A_29 = vector.shape_cast %select_n3A_28 : vector<16xi32> to vector<16x1xi32>
    %gather3A = vector.shape_cast %broadcast_in_dim3A_29 : vector<16x1xi32> to vector<16xi32>
    %gather3A_30 = tpu.dynamic_gather %get3A_7[%gather3A] in [0] : vector<16xf32>, vector<16xi32> -> vector<16xf32>
    %swap3A = arith.constant 480 : index
    %swap3A_31 = tpu.vector_load %arg5[%swap3A] {strides = array<i32>} : memref<1024xf32, #tpu.memory_space<vmem>>, vector<16xf32>,
    %swap3A_32 = vector.shape_cast %swap3A_31 : vector<16xf32> to vector<16xf32>
    %swap3A_33 = vector.shape_cast %gather3A_30 : vector<16xf32> to vector<16xf32>
    tpu.vector_store %arg5[%swap3A], %swap3A_33 {strides = array<i32>} : memref<1024xf32, #tpu.memory_space<vmem>>, vector<16xf32>,
    %rev3A = arith.constant 15 : i32
    %rev3A_34 = vector.broadcast %rev3A : i32 to vector<16xi32>
    %rev3A_35 = tpu.iota {dimensions = array<i32: 0>} : vector<16xi32>
    %rev3A_36 = arith.subi %rev3A_34, %rev3A_35 : vector<16xi32>
    %rev3A_37 = tpu.dynamic_gather %get3A_4[%rev3A_36] in [0] : vector<16xf32>, vector<16xi32> -> vector<16xf32>
    %swap3A_38 = arith.constant 496 : index
    %swap3A_39 = tpu.vector_load %arg5[%swap3A_38] {strides = array<i32>} : memref<1024xf32, #tpu.memory_space<vmem>>, vector<16xf32>,
    %swap3A_40 = vector.shape_cast %swap3A_39 : vector<16xf32> to vector<16xf32>
    %swap3A_41 = vector.shape_cast %rev3A_37 : vector<16xf32> to vector<16xf32>
    tpu.vector_store %arg5[%swap3A_38], %swap3A_41 {strides = array<i32>} : memref<1024xf32, #tpu.memory_space<vmem>>, vector<16xf32>,
    %slice3A_42 = vector.extract_strided_slice %get3A_4 {offsets = [0], sizes = [1], strides = [1]} : vector<16xf32> to vector<1xf32>
    %squeeze3A_43 = vector.extract %slice3A_42[0] : f32 from vector<1xf32>
    %broadcast_in_dim3A_44 = vector.broadcast %squeeze3A_43 : f32 to vector<16xf32>
    %scan3A_45 = arith.constant 0 : i32
    %scan3A_46 = arith.constant 32 : i32
    %scan3A_47 = arith.constant 32 : i32
    %scan3A_48 = arith.addi %scan3A_46, %scan3A_47 : i32
    %scan3A_49 = arith.constant 1 : i32
    scf.for %scan3A_69 = %scan3A_46 to %scan3A_48 step %scan3A_49  : i32 {
      %mul3A_70 = arith.constant 16 : i32
      %mul3A_71 = arith.muli %scan3A_69, %mul3A_70 : i32
      %swap3A_72 = arith.index_cast %mul3A_71 : i32 to index
      %swap3A_73 = tpu.vector_load %arg5[%swap3A_72] {strides = array<i32>} : memref<1024xf32, #tpu.memory_space<vmem>>, vector<16xf32>,
      %swap3A_74 = vector.shape_cast %swap3A_73 : vector<16xf32> to vector<16xf32>
      %swap3A_75 = vector.shape_cast %broadcast_in_dim3A_44 : vector<16xf32> to vector<16xf32>
      tpu.vector_store %arg5[%swap3A_72], %swap3A_75 {strides = array<i32>} : memref<1024xf32, #tpu.memory_space<vmem>>, vector<16xf32>,
    }
    %scan3A_50 = arith.constant 32 : i32
    %scan3A_51 = arith.constant 0 : i32
    %scan3A_52 = arith.constant 0 : i32
    %scan3A_53 = arith.constant 2 : i32
    %scan3A_54 = arith.addi %scan3A_52, %scan3A_53 : i32
    %scan3A_55 = arith.constant 1 : i32
    scf.for %scan3A_69 = %scan3A_52 to %scan3A_54 step %scan3A_55  : i32 {
      %mul3A_70 = arith.constant 8 : i32
      %mul3A_71 = arith.muli %scan3A_69, %mul3A_70 : i32
      %add3A_72 = arith.constant 1 : i32
      %add3A_73 = arith.addi %scan3A_69, %add3A_72 : i32
      %mul3A_74 = arith.constant 8 : i32
      %mul3A_75 = arith.muli %add3A_73, %mul3A_74 : i32
      %while3A = arith.constant 0 : i32
      %while3A_76 = arith.subi %mul3A_75, %mul3A_71 : i32
      %while3A_77 = arith.addi %mul3A_71, %while3A_76 : i32
      %while3A_78 = arith.constant 1 : i32
      %while3A_79 = arith.divsi %while3A_76, %while3A_78 : i32
      %while3A_80 = arith.muli %while3A_79, %while3A_78 : i32
      %while3A_81 = arith.addi %mul3A_71, %while3A_80 : i32
      %while3A_82 = arith.constant 1 : i32
      scf.for %while3A_93 = %mul3A_71 to %while3A_81 step %while3A_82  : i32 {
        %add3A_94 = arith.addi %mul3A_2, %while3A_93 : i32
        %sub3A_95 = arith.constant 511 : i32
        %sub3A_96 = arith.subi %sub3A_95, %add3A_94 : i32
        %scan3A_97 = arith.constant 0 : i32
        %scan3A_98 = arith.constant 0 : i32
        %scan3A_99 = arith.constant 32 : i32
        %scan3A_100 = arith.addi %scan3A_98, %scan3A_99 : i32
        %scan3A_101 = arith.constant 1 : i32
        scf.for %scan3A_103 = %scan3A_98 to %scan3A_100 step %scan3A_101  : i32 {
          %mul3A_104 = arith.constant 16 : i32
          %mul3A_105 = arith.muli %scan3A_103, %mul3A_104 : i32
          %add3A_106 = arith.addi %sub3A_96, %mul3A_105 : i32
          %get3A_107 = arith.index_cast %add3A_106 : i32 to index
          %get3A_108 = tpu.vector_load %arg5[%get3A_107] {strides = array<i32>} : memref<1024xf32, #tpu.memory_space<vmem>>, vector<16xf32>,
          %get3A_109 = vector.shape_cast %get3A_108 : vector<16xf32> to vector<16xf32>
          %mul3A_110 = arith.constant 16 : i32
          %mul3A_111 = arith.muli %scan3A_103, %mul3A_110 : i32
          %swap3A_112 = arith.index_cast %while3A_93 : i32 to index
          %swap3A_113 = arith.index_cast %mul3A_111 : i32 to index
          %swap3A_114 = tpu.vector_load %arg6[%swap3A_112, %swap3A_113] {strides = array<i32>} : memref<16x512xf32, #tpu.memory_space<vmem>>, vector<1x16xf32>,
          %swap3A_115 = vector.shape_cast %swap3A_114 : vector<1x16xf32> to vector<16xf32>
          %swap3A_116 = vector.shape_cast %get3A_109 : vector<16xf32> to vector<1x16xf32>
          tpu.vector_store %arg6[%swap3A_112, %swap3A_113], %swap3A_116 {strides = array<i32>} : memref<16x512xf32, #tpu.memory_space<vmem>>, vector<1x16xf32>,
        }
        %scan3A_102 = arith.constant 32 : i32
      }
      %while3A_83 = arith.constant 1 : i32
      scf.for %while3A_93 = %while3A_81 to %while3A_77 step %while3A_83  : i32 {
        %add3A_94 = arith.addi %mul3A_2, %while3A_93 : i32
        %sub3A_95 = arith.constant 511 : i32
        %sub3A_96 = arith.subi %sub3A_95, %add3A_94 : i32
        %scan3A_97 = arith.constant 0 : i32
        %scan3A_98 = arith.constant 0 : i32
        %scan3A_99 = arith.constant 32 : i32
        %scan3A_100 = arith.addi %scan3A_98, %scan3A_99 : i32
        %scan3A_101 = arith.constant 1 : i32
        scf.for %scan3A_103 = %scan3A_98 to %scan3A_100 step %scan3A_101  : i32 {
          %mul3A_104 = arith.constant 16 : i32
          %mul3A_105 = arith.muli %scan3A_103, %mul3A_104 : i32
          %add3A_106 = arith.addi %sub3A_96, %mul3A_105 : i32
          %get3A_107 = arith.index_cast %add3A_106 : i32 to index
          %get3A_108 = tpu.vector_load %arg5[%get3A_107] {strides = array<i32>} : memref<1024xf32, #tpu.memory_space<vmem>>, vector<16xf32>,
          %get3A_109 = vector.shape_cast %get3A_108 : vector<16xf32> to vector<16xf32>
          %mul3A_110 = arith.constant 16 : i32
          %mul3A_111 = arith.muli %scan3A_103, %mul3A_110 : i32
          %swap3A_112 = arith.index_cast %while3A_93 : i32 to index
          %swap3A_113 = arith.index_cast %mul3A_111 : i32 to index
          %swap3A_114 = tpu.vector_load %arg6[%swap3A_112, %swap3A_113] {strides = array<i32>} : memref<16x512xf32, #tpu.memory_space<vmem>>, vector<1x16xf32>,
          %swap3A_115 = vector.shape_cast %swap3A_114 : vector<1x16xf32> to vector<16xf32>
          %swap3A_116 = vector.shape_cast %get3A_109 : vector<16xf32> to vector<1x16xf32>
          tpu.vector_store %arg6[%swap3A_112, %swap3A_113], %swap3A_116 {strides = array<i32>} : memref<16x512xf32, #tpu.memory_space<vmem>>, vector<1x16xf32>,
        }
        %scan3A_102 = arith.constant 32 : i32
      }
      %scan3A_84 = arith.constant 0 : i32
      %scan3A_85 = arith.constant 0 : i32
      %scan3A_86 = arith.constant 64 : i32
      %scan3A_87 = arith.addi %scan3A_85, %scan3A_86 : i32
      %scan3A_88 = arith.constant 1 : i32
      scf.for %scan3A_93 = %scan3A_85 to %scan3A_87 step %scan3A_88  : i32 {
        %jit3A_94 = arith.constant 8 : i32
        %div3A = arith.divsi %scan3A_93, %jit3A_94 : i32
        %sign3A = arith.constant 0 : i32
        %sign3A_95 = arith.cmpi sgt, %scan3A_93, %sign3A : i32
        %sign3A_96 = arith.extui %sign3A_95 : i1 to i32
        %sign3A_97 = arith.constant 0 : i32
        %sign3A_98 = arith.cmpi slt, %scan3A_93, %sign3A_97 : i32
        %sign3A_99 = arith.extui %sign3A_98 : i1 to i32
        %sign3A_100 = arith.subi %sign3A_96, %sign3A_99 : i32
        %sign3A_101 = arith.constant 0 : i32
        %sign3A_102 = arith.cmpi sgt, %jit3A_94, %sign3A_101 : i32
        %sign3A_103 = arith.extui %sign3A_102 : i1 to i32
        %sign3A_104 = arith.constant 0 : i32
        %sign3A_105 = arith.cmpi slt, %jit3A_94, %sign3A_104 : i32
        %sign3A_106 = arith.extui %sign3A_105 : i1 to i32
        %sign3A_107 = arith.subi %sign3A_103, %sign3A_106 : i32
        %ne3A = arith.cmpi ne, %sign3A_100, %sign3A_107 : i32
        %rem3A = arith.remsi %scan3A_93, %jit3A_94 : i32
        %ne3A_108 = arith.constant 0 : i32
        %ne3A_109 = arith.cmpi ne, %rem3A, %ne3A_108 : i32
        %and3A_110 = arith.andi %ne3A, %ne3A_109 : i1
        %sub3A_111 = arith.constant 1 : i32
        %sub3A_112 = arith.subi %div3A, %sub3A_111 : i32
        %select_n3A_113 = arith.select %and3A_110, %sub3A_112, %div3A : i32
        %mul3A_114 = arith.constant 8 : i32
        %mul3A_115 = arith.muli %select_n3A_113, %mul3A_114 : i32
        %sub3A_116 = arith.subi %scan3A_93, %mul3A_115 : i32
        %mul3A_117 = arith.constant 8 : i32
        %mul3A_118 = arith.muli %scan3A_69, %mul3A_117 : i32
        %mul3A_119 = arith.constant 8 : i32
        %mul3A_120 = arith.muli %scan3A_69, %mul3A_119 : i32
        %add3A_121 = arith.addi %mul3A_2, %mul3A_120 : i32
        %mul3A_122 = arith.constant 512 : i32
        %mul3A_123 = arith.muli %sub3A_116, %mul3A_122 : i32
        %dma_start3A = arith.constant 0 : i32
        %dma_start3A_124 = tpu.memref_slice %arg6[%mul3A_118, %dma_start3A] : memref<16x512xf32, #tpu.memory_space<vmem>> -> memref<8x512xf32, #tpu.memory_space<vmem>>
        %dma_start3A_125 = tpu.memref_slice %arg3[%select_n3A_113, %add3A_121, %mul3A_123] : memref<8x512x4096xf32, #tpu.memory_space<hbm>> -> memref<1x8x512xf32, #tpu.memory_space<hbm>>
        %dma_start3A_126 = tpu.memref_squeeze %dma_start3A_125 : memref<1x8x512xf32, #tpu.memory_space<hbm>> -> memref<8x512xf32, #tpu.memory_space<hbm>>
        %dma_start3A_127 = tpu.memref_slice %arg3[%select_n3A_113, %add3A_121, %mul3A_123] : memref<8x512x4096xf32, #tpu.memory_space<hbm>> -> memref<1x8x512xf32, #tpu.memory_space<hbm>>
        %dma_start3A_128 = tpu.memref_squeeze %dma_start3A_127 : memref<1x8x512xf32, #tpu.memory_space<hbm>> -> memref<8x512xf32, #tpu.memory_space<hbm>>
        %dma_start3A_129 = arith.constant 0 : i32
        %dma_start3A_130 = tpu.memref_slice %arg6[%mul3A_118, %dma_start3A_129] : memref<16x512xf32, #tpu.memory_space<vmem>> -> memref<8x512xf32, #tpu.memory_space<vmem>>
        tpu.enqueue_dma source(%dma_start3A_130 : memref<8x512xf32, #tpu.memory_space<vmem>>) target(%dma_start3A_128 : memref<8x512xf32, #tpu.memory_space<hbm>>) target_semaphore(%arg7 : memref<!tpu.dma_semaphore, #tpu.memory_space<semaphore_mem>>)
      }
      %scan3A_89 = arith.constant 64 : i32
      %ge3A_90 = arith.constant 2 : i32
      %ge3A_91 = arith.cmpi sge, %scan3A_69, %ge3A_90 : i32
      %convert_element_type3A = arith.extui %ge3A_91 : i1 to i32
      %cond3A = arith.constant 0 : i32
      %cond3A_92 = arith.cmpi ne, %convert_element_type3A, %cond3A : i32
      scf.if %cond3A_92 {
        %scan3A_93 = arith.constant 0 : i32
        %scan3A_94 = arith.constant 0 : i32
        %scan3A_95 = arith.constant 64 : i32
        %scan3A_96 = arith.addi %scan3A_94, %scan3A_95 : i32
        %scan3A_97 = arith.constant 1 : i32
        scf.for %scan3A_99 = %scan3A_94 to %scan3A_96 step %scan3A_97  : i32 {
          %dma_wait3A = arith.constant 0 : i32
          %dma_wait3A_100 = arith.constant 0 : i32
          %dma_wait3A_101 = arith.constant 0 : i32
          %dma_wait3A_102 = tpu.memref_slice %arg6[%dma_wait3A_100, %dma_wait3A_101] : memref<16x512xf32, #tpu.memory_space<vmem>> -> memref<8x512xf32, #tpu.memory_space<vmem>>
          %dma_wait3A_103 = arith.constant 0 : i32
          %dma_wait3A_104 = tpu.memref_slice %arg3[%dma_wait3A, %mul3A_2, %dma_wait3A_103] : memref<8x512x4096xf32, #tpu.memory_space<hbm>> -> memref<1x8x512xf32, #tpu.memory_space<hbm>>
          %dma_wait3A_105 = tpu.memref_squeeze %dma_wait3A_104 : memref<1x8x512xf32, #tpu.memory_space<hbm>> -> memref<8x512xf32, #tpu.memory_space<hbm>>
          %dma_wait3A_106 = arith.constant 0 : i32
          %dma_wait3A_107 = tpu.memref_slice %arg3[%dma_wait3A, %mul3A_2, %dma_wait3A_106] : memref<8x512x4096xf32, #tpu.memory_space<hbm>> -> memref<1x8x512xf32, #tpu.memory_space<hbm>>
          %dma_wait3A_108 = tpu.memref_squeeze %dma_wait3A_107 : memref<1x8x512xf32, #tpu.memory_space<hbm>> -> memref<8x512xf32, #tpu.memory_space<hbm>>
          %dma_wait3A_109 = arith.constant 0 : i32
          %dma_wait3A_110 = arith.constant 0 : i32
          %dma_wait3A_111 = tpu.memref_slice %arg6[%dma_wait3A_109, %dma_wait3A_110] : memref<16x512xf32, #tpu.memory_space<vmem>> -> memref<8x512xf32, #tpu.memory_space<vmem>>
          tpu.wait_dma2 semaphore(%arg7 : memref<!tpu.dma_semaphore, #tpu.memory_space<semaphore_mem>>) src(%dma_wait3A_111 : memref<8x512xf32, #tpu.memory_space<vmem>>) dst(%dma_wait3A_108 : memref<8x512xf32, #tpu.memory_space<hbm>>)
        }
        %scan3A_98 = arith.constant 64 : i32
      } else {
      }
    }
    %scan3A_56 = arith.constant 2 : i32
    %scan3A_57 = arith.constant 0 : i32
    %scan3A_58 = arith.constant 0 : i32
    %scan3A_59 = arith.constant 64 : i32
    %scan3A_60 = arith.addi %scan3A_58, %scan3A_59 : i32
    %scan3A_61 = arith.constant 1 : i32
    scf.for %scan3A_69 = %scan3A_58 to %scan3A_60 step %scan3A_61  : i32 {
      %dma_wait3A = arith.constant 0 : i32
      %dma_wait3A_70 = arith.constant 0 : i32
      %dma_wait3A_71 = arith.constant 0 : i32
      %dma_wait3A_72 = tpu.memref_slice %arg6[%dma_wait3A_70, %dma_wait3A_71] : memref<16x512xf32, #tpu.memory_space<vmem>> -> memref<8x512xf32, #tpu.memory_space<vmem>>
      %dma_wait3A_73 = arith.constant 0 : i32
      %dma_wait3A_74 = tpu.memref_slice %arg3[%dma_wait3A, %mul3A_2, %dma_wait3A_73] : memref<8x512x4096xf32, #tpu.memory_space<hbm>> -> memref<1x8x512xf32, #tpu.memory_space<hbm>>
      %dma_wait3A_75 = tpu.memref_squeeze %dma_wait3A_74 : memref<1x8x512xf32, #tpu.memory_space<hbm>> -> memref<8x512xf32, #tpu.memory_space<hbm>>
      %dma_wait3A_76 = arith.constant 0 : i32
      %dma_wait3A_77 = tpu.memref_slice %arg3[%dma_wait3A, %mul3A_2, %dma_wait3A_76] : memref<8x512x4096xf32, #tpu.memory_space<hbm>> -> memref<1x8x512xf32, #tpu.memory_space<hbm>>
      %dma_wait3A_78 = tpu.memref_squeeze %dma_wait3A_77 : memref<1x8x512xf32, #tpu.memory_space<hbm>> -> memref<8x512xf32, #tpu.memory_space<hbm>>
      %dma_wait3A_79 = arith.constant 0 : i32
      %dma_wait3A_80 = arith.constant 0 : i32
      %dma_wait3A_81 = tpu.memref_slice %arg6[%dma_wait3A_79, %dma_wait3A_80] : memref<16x512xf32, #tpu.memory_space<vmem>> -> memref<8x512xf32, #tpu.memory_space<vmem>>
      tpu.wait_dma2 semaphore(%arg7 : memref<!tpu.dma_semaphore, #tpu.memory_space<semaphore_mem>>) src(%dma_wait3A_81 : memref<8x512xf32, #tpu.memory_space<vmem>>) dst(%dma_wait3A_78 : memref<8x512xf32, #tpu.memory_space<hbm>>)
    }
    %scan3A_62 = arith.constant 64 : i32
    %scan3A_63 = arith.constant 0 : i32
    %scan3A_64 = arith.constant 0 : i32
    %scan3A_65 = arith.constant 64 : i32
    %scan3A_66 = arith.addi %scan3A_64, %scan3A_65 : i32
    %scan3A_67 = arith.constant 1 : i32
    scf.for %scan3A_69 = %scan3A_64 to %scan3A_66 step %scan3A_67  : i32 {
      %dma_wait3A = arith.constant 0 : i32
      %dma_wait3A_70 = arith.constant 0 : i32
      %dma_wait3A_71 = arith.constant 0 : i32
      %dma_wait3A_72 = tpu.memref_slice %arg6[%dma_wait3A_70, %dma_wait3A_71] : memref<16x512xf32, #tpu.memory_space<vmem>> -> memref<8x512xf32, #tpu.memory_space<vmem>>
      %dma_wait3A_73 = arith.constant 0 : i32
      %dma_wait3A_74 = tpu.memref_slice %arg3[%dma_wait3A, %mul3A_2, %dma_wait3A_73] : memref<8x512x4096xf32, #tpu.memory_space<hbm>> -> memref<1x8x512xf32, #tpu.memory_space<hbm>>
      %dma_wait3A_75 = tpu.memref_squeeze %dma_wait3A_74 : memref<1x8x512xf32, #tpu.memory_space<hbm>> -> memref<8x512xf32, #tpu.memory_space<hbm>>
      %dma_wait3A_76 = arith.constant 0 : i32
      %dma_wait3A_77 = tpu.memref_slice %arg3[%dma_wait3A, %mul3A_2, %dma_wait3A_76] : memref<8x512x4096xf32, #tpu.memory_space<hbm>> -> memref<1x8x512xf32, #tpu.memory_space<hbm>>
      %dma_wait3A_78 = tpu.memref_squeeze %dma_wait3A_77 : memref<1x8x512xf32, #tpu.memory_space<hbm>> -> memref<8x512xf32, #tpu.memory_space<hbm>>
      %dma_wait3A_79 = arith.constant 0 : i32
      %dma_wait3A_80 = arith.constant 0 : i32
      %dma_wait3A_81 = tpu.memref_slice %arg6[%dma_wait3A_79, %dma_wait3A_80] : memref<16x512xf32, #tpu.memory_space<vmem>> -> memref<8x512xf32, #tpu.memory_space<vmem>>
      tpu.wait_dma2 semaphore(%arg7 : memref<!tpu.dma_semaphore, #tpu.memory_space<semaphore_mem>>) src(%dma_wait3A_81 : memref<8x512xf32, #tpu.memory_space<vmem>>) dst(%dma_wait3A_78 : memref<8x512xf32, #tpu.memory_space<hbm>>)
    }
    %scan3A_68 = arith.constant 64 : i32
    return
  }
}

</mosaic_0001>

<sc_bundles>
// kernel: kernel.3.cloned.1.call-start
scs
__scs_entry_jumppad:
0x0: {  	(pc) =	sbr.rel $0x88, $3  }
0x1: {  	(tag) =	ssettag $0x0;
	lr =	simm.s32 $0x1  }
0x2: {  	[smem:$0x3FA0] =	sst lr;
	_ =	strace $0xD0000000  }
0x3: {  	_ = 	snop  }
0x4: {  	_ = 	snop  }
0x5: {  	_ = 	snop  }
0x6: {  	_ = 	snop  }
0x7: {  	_ = 	snop  }
__scs_overlays_trampoline_lowered:
0x8: {  	[smem:$0x3FAF] =	sst s0  }
0x9: {  	[smem:$0x3FB0] =	sst s1  }
0xa: {  	[smem:$0x3FB1] =	sst s2  }
0xb: {  	[smem:$0x3FB2] =	sst s3  }
0xc: {  	[smem:$0x3FB3] =	sst s4  }
0xd: {  	[smem:$0x3FB4] =	sst s5  }
0xe: {  	[smem:$0x3FB5] =	sst s6  }
0xf: {  	[smem:$0x3FB6] =	sst s7  }
0x10: {  	[smem:$0x3FB7] =	sst s8  }
0x11: {  	[smem:$0x3FB8] =	sst s9;
	s0 =	simm.s32 @!p0 $0x0  }
0x12: {  	s1 =	sld [smem:$0x3F9E];
	s0 =	simm.s32 @p0 $0x1  }
0x13: {  	[smem:$0x3FB9] =	sst s0;
	s0 =	simm.s32 @!p1 $0x0  }
0x14: {  	s2 =	sld [smem:$0x3F9D];
	s0 =	simm.s32 @p1 $0x1  }
0x15: {  	[smem:$0x3FBA] =	sst s0;
	s0 =	simm.s32 @!p2 $0x0  }
0x16: {  	s3 =	sld [smem:$0x3FDB];
	s0 =	simm.s32 @p2 $0x1  }
0x17: {  	s4 =	simm.s32 $0x1BF5;
	[smem:$0x3FBC] =	sst s0  }
0x18: {  	s0 =	sld [smem:$0x3F9F];
	_ =	swait.ge [sflag:s4], $0x0  }
0x19: {  	s7 =	sld [smem:$0x3FA0]  }
0x1a: {  	s8 =	sadd.s32 $0xFFFFE003, lr  }
0x1b: {  	s9 =	sadd.s32 $0xFFFFFEF7, lr;
	s5 =	simm.s32 $0xFFFFFFFF;
	p2 =	slt.u32 s8, $0xFFFFF086  }
0x1c: {  	p1 =	slt.u32 s9, $0xF7A;
	s5 =	simm.s32 @!p2 $0x0  }
0x1d: {  	s5 =	simm.s32 @p1 $0x1;
	p0 =	seq.s32 s7, s2  }
0x1e: {  	s7 =	smul.u32 @!p0 $0xF7A, s2;
	p2 =	seq.s32 @!p0 s5, $0x0  }
0x1f: {  	s9 =	smul.u32 $0xF7A, s1;
	s8 =	simm.s32 @!p0 $0x1BF5;
	p2 =	por !p2, p0  }
0x20: {  	[sflag:s8] =	ssyncset.s32 @!p0 $0xFFFFF086;
	s6 =	sadd.s32 @!p0 s3, s7;
	s7 =	simm.s32 @!p0 $0x108  }
0x21: {  	s3 =	sadd.s32 s3, s9;
	s6 =	sadd.s32 @!p0 $0x88, s6;
	s7 =	simm.s32 @p2 $0x1082  }
0x22: {  	[simem:s7], [sflag:s8] =	dma.local @!p0 [hbm:s6], $0xF7A  }
0x23: {  	s9 =	sor.u32 $0xD0000000, s2;
	s6 =	simm.s32 $0x108;
	_ =	swait.ge @!p0 [sflag:s8], $0x0  }
0x24: {  	s3 =	sadd.s32 $0x88, s3;
	s6 =	simm.s32 @!p1 $0x1082;
	[sflag:s4] =	ssyncset.s32 $0xFFFFF086  }
0x25: {  	[simem:s6], [sflag:s4] =	dma.local [hbm:s3], $0xF7A  }
0x26: {  	[smem:$0x3FA0] =	sst s1;
	(tag) =	ssettag s2;
	_ =	strace s9  }
0x27: {  	s1 =	sld [smem:$0x3FB0]  }
0x28: {  	s2 =	sld [smem:$0x3FB1]  }
0x29: {  	s4 =	sld [smem:$0x3FB3]  }
0x2a: {  	p0 =	seq.s32 s5, $0x0;
	s5 =	sld [smem:$0x3FB4]  }
0x2b: {  	s6 =	sld [smem:$0x3FB5]  }
0x2c: {  	s7 =	sld [smem:$0x3FB6]  }
0x2d: {  	s3 =	simm.s32 $0x108;
	s8 =	sld [smem:$0x3FB7]  }
0x2e: {  	s3 =	simm.s32 @!p0 $0x1082;
	s9 =	sld [smem:$0x3FB8]  }
0x2f: {  	lr =	sadd.s32 s0, s3;
	s0 =	sld [smem:$0x3FAF]  }
0x30: {  	s3 =	sld [smem:$0x3FB2]  }
0x31: {  	[smem:$0x3FBB] =	sst s10  }
0x32: {  	s10 =	sld [smem:$0x3FB9];
	_ =	sdelay $0x3  }
0x33: {  	p0 =	seq.s32 s10, $0x1;
	s10 =	sld [smem:$0x3FBB];
	_ =	sdelay $0x3  }
0x34: {  	[smem:$0x3FBB] =	sst s10  }
0x35: {  	s10 =	sld [smem:$0x3FBA];
	_ =	sdelay $0x3  }
0x36: {  	p1 =	seq.s32 s10, $0x1;
	s10 =	sld [smem:$0x3FBB];
	_ =	sdelay $0x3  }
0x37: {  	[smem:$0x3FBB] =	sst s10  }
0x38: {  	s10 =	sld [smem:$0x3FBC]  }
0x39: {  	_ = 	snop;
	(pc) =	sbr.ind lr, $3  }
0x3a: {  	_ = 	snop  }
0x3b: {  	_ = 	snop  }
0x3c: {  	p2 =	seq.s32 s10, $0x1;
	s10 =	sld [smem:$0x3FBB]  }
0x3d: {  	_ =	shalt  }
0x3e: {  	_ =	shalt  }
0x3f: {  	_ =	shalt  }
0x40: {  	_ =	shalt  }
0x41: {  	_ =	shalt  }
0x42: {  	_ =	shalt  }
0x43: {  	_ =	shalt  }
0x44: {  	_ =	shalt  }
0x45: {  	_ =	shalt  }
0x46: {  	_ =	shalt  }
0x47: {  	_ =	shalt  }
0x48: {  	_ =	shalt  }
0x49: {  	_ =	shalt  }
0x4a: {  	_ =	shalt  }
0x4b: {  	_ =	shalt  }
0x4c: {  	_ =	shalt  }
0x4d: {  	_ =	shalt  }
0x4e: {  	_ =	shalt  }
0x4f: {  	_ =	shalt  }
0x50: {  	_ =	shalt  }
0x51: {  	_ =	shalt  }
0x52: {  	_ =	shalt  }
0x53: {  	_ =	shalt  }
0x54: {  	_ =	shalt  }
0x55: {  	_ =	shalt  }
0x56: {  	_ =	shalt  }
0x57: {  	_ =	shalt  }
0x58: {  	_ =	shalt  }
0x59: {  	_ =	shalt  }
0x5a: {  	_ =	shalt  }
0x5b: {  	_ =	shalt  }
0x5c: {  	_ =	shalt  }
0x5d: {  	_ =	shalt  }
0x5e: {  	_ =	shalt  }
0x5f: {  	_ =	shalt  }
0x60: {  	_ =	shalt  }
0x61: {  	_ =	shalt  }
0x62: {  	_ =	shalt  }
0x63: {  	_ =	shalt  }
0x64: {  	_ =	shalt  }
0x65: {  	_ =	shalt  }
0x66: {  	_ =	shalt  }
0x67: {  	_ =	shalt  }
0x68: {  	_ =	shalt  }
0x69: {  	_ =	shalt  }
0x6a: {  	_ =	shalt  }
0x6b: {  	_ =	shalt  }
0x6c: {  	_ =	shalt  }
0x6d: {  	_ =	shalt  }
0x6e: {  	_ =	shalt  }
0x6f: {  	_ =	shalt  }
0x70: {  	_ =	shalt  }
0x71: {  	_ =	shalt  }
0x72: {  	_ =	shalt  }
0x73: {  	_ =	shalt  }
0x74: {  	_ =	shalt  }
0x75: {  	_ =	shalt  }
0x76: {  	_ =	shalt  }
0x77: {  	_ =	shalt  }
0x78: {  	_ =	shalt  }
0x79: {  	_ =	shalt  }
0x7a: {  	_ =	shalt  }
0x7b: {  	_ =	shalt  }
0x7c: {  	_ =	shalt  }
0x7d: {  	_ =	shalt  }
0x7e: {  	_ =	shalt  }
0x7f: {  	_ =	shalt  }
0x80: {  	_ =	shalt  }
0x81: {  	_ =	shalt  }
0x82: {  	_ =	shalt  }
0x83: {  	_ =	shalt  }
0x84: {  	_ =	shalt  }
0x85: {  	_ =	shalt  }
0x86: {  	_ =	shalt  }
0x87: {  	_ =	shalt  }
.Lfunc_end0:
.L_simem_size_0:
called_computation_lowered:
.L_overlay_start_0:
0x88: {  	s2 =	sld [smem:$0x3FD9]  }
0x89: {  	s3 =	sld [smem:$0x3FFE];
	_ =	sdelay $0x1  }
0x8a: {  	s1 =	srdreg.scid  }
0x8b: {  	s0 =	sand.u32 $0x1, s1  }
0x8c: {  	s18 =	sshll.u32 s0, $0xA;
	s2 =	sadd.s32 s3, s2  }
0x8d: {  	s2 =	sadd.s32 s2, s18  }
0x8e: {  	[smem:$0x3FC7] =	sst s2  }
0x8f: {  	_ = 	snop  }
0x90: {  	s2 =	sld [smem:$0x3FC9]  }
0x91: {  	s19 =	sld [smem:$0x3FD0];
	(tm) =	ssettm $0x1  }
0x92: {  	s4 =	sld [smem:$0x3FFB];
	_ =	sdelay $0x3  }
0x93: {  	_ =	strace s4  }
0x94: {  	s4 =	sld [smem:$0x3FFC];
	_ =	sdelay $0x3  }
0x95: {  	_ =	strace s4  }
0x96: {  	s4 =	sld [smem:$0x3FFD];
	_ =	sdelay $0x3  }
0x97: {  	_ =	strace s4  }
0x98: {  	_ =	strace $0x8FFFFFFF  }
0x99: {  	s20 =	sld [smem:$0x3FDB];
	_ =	sdelay $0x1  }
0x9a: {  	s5 =	simm.s32 $_scs_section_size  }
0x9b: {  	s6 =	simm.s32 $_size__tile_overlayer_lowered;
	s7 =	simm.s32 $_tile_overlayer_lowered  }
0x9c: {  	s23 =	simm.s32 $0x1BFF;
	s22 =	sshll.u32 s7, $0x1;
	s4 =	sadd.s32 s5, s20  }
0x9d: {  	s8 =	simm.s32 $0x0;
	s21 =	sshll.u32 s6, $0x1;
	s6 =	sadd.s32 s22, s4  }
0x9e: {  	[timem:s8], [sflag:s23] =	dma.local [hbm:s6], s21  }
0x9f: {  	_ =	swait.ge [sflag:s23], s21  }
0xa0: {  	s5 =	ssub.s32 $0x0, s21;
	[sflag:s23] =	ssyncset.done $0x0  }
0xa1: {  	[sflag:s23] =	ssyncadd.s32 s5;
	_ =	sdelay $0x1  }
0xa2: {  	s24 =	simm.s32 $0x1B8B  }
0xa3: {  	_ =	swait.ge [sflag:s24], $0x1  }
0xa4: {  	[sflag:s24] =	ssyncset.done $0x0  }
0xa5: {  	s25 =	simm.s32 $0x1B8E;
	[sflag:s24] =	ssyncadd.s32 $0xFFFFFFFF  }
0xa6: {  	s26 =	simm.s32 $execute0_lowered;
	[smem:$0x3FD2] =	sst s25  }
0xa7: {  	s5 =	sshll.u32 s26, $0x1;
	_ =	strace $0x80000046;
	[dreg:$0x1] =	wrdreg $0xFFFFFFFF  }
0xa8: {  	s28 =	simm.s32 $_size_execute0_lowered;
	s4 =	sadd.s32 s4, s5;
	[dreg:$0x0] =	wrdreg $0x0  }
0xa9: {  	s5 =	sshll.u32 s28, $0x1;
	[dreg:$0x2] =	wrdreg s4  }
0xaa: {  	[dreg:$0x3] =	wrdreg s5  }
0xab: {  	[dreg:$0x4] =	wrdreg $0xC0  }
0xac: {  	_ =	task [dreg:s8], $0x5FFFF  }
0xad: {  	[dreg:$0x1] =	wrdreg $0xFFFFFFFF  }
0xae: {  	[dreg:$0x0] =	wrdreg $0x60  }
0xaf: {  	[dreg:$0x2] =	wrdreg s2  }
0xb0: {  	[dreg:$0x3] =	wrdreg s19  }
0xb1: {  	[dreg:$0x4] =	wrdreg $0x9  }
0xb2: {  	_ =	task.clear_ibuf [dreg:s8], $0x5FFFF;
	_ =	strace $0x90000046  }
0xb3: {  	s29 =	simm.s32 $0x9;
	_ =	strace $0x80000048  }
0xb4: {  	_ =	swait.ge [sflag:s29], $0x1  }
0xb5: {  	[sflag:s29] =	ssyncadd.s32 $0xFFFFFFFF  }
0xb6: {  	_ =	strace $0x90000048  }
0xb7: {  	_ =	sfence  }
0xb8: {  	s30 =	sld [smem:$0x0];
	_ =	sdelay $0x2  }
0xb9: {  	s31 =	sshll.u32 s1, $0xD;
	s1 =	sshrl.u32 s1, $0x2  }
0xba: {  	s3 =	sand.u32 $0x4000, s31;
	s1 =	sadd.s32 s1, s30  }
0xbb: {  	s0 =	sor.u32 s3, s0;
	s1 =	sshll.u32 s1, $0x11  }
0xbc: {  	s0 =	sor.u32 s1, s0  }
0xbd: {  	s0 =	sadd.s32 $0x8F2B, s0  }
0xbe: {  	[sflag:s0] =	ssyncadd.remote.s32 $0x1  }
0xbf: {  	_ =	sfence.sel $0xFFFF  }
0xc0: {  	[dreg:$0x0] =	wrdreg $0xFFFFFFFF;
	(pc) =	sbr.abs _section_cstart, $3  }
0xc1: {  	[dreg:$0x1] =	wrdreg $0xFFFFFFFF  }
0xc2: {  	_ =	task.clear_ibuf [dreg:s8], $0x2FFFF;
	_ =	strace $0x9FFFFFFF  }
0xc3: {  	(tm) =	ssettm $0x7FFFFFFF  }
tec
execute0_lowered:
.L_overlay_start_1:
0x0: {  	(tag) =	ssettag $0x1  }
0x1: {  	s1 =	rddreg [dreg:$0x0]  }
0x2: {  	s2 =	rddreg [dreg:$0x1]  }
0x3: {  	s0 =	rddreg [dreg:$0x2];
	s4 =	simm.s32 $0x0  }
0x4: {  	s5 =	srdreg.scid;
	s3 =	stileid.u32;
	s12 =	simm.s32 $0x1480  }
0x5: {  	s13 =	simm.s32 $0x1;
	s14 =	simm.s32 $0x0;
	[smem:$0x7FF] =	sst s4  }
0x6: {  	s6 =	sand.u32 $0x1, s5;
	s8 =	sshll.u32 s3, $0x7;
	s31 =	sshll.u32 s3, $0x11  }
0x7: {  	v0 =	vimm.s32 $0x1235678;
	v1 =	vimm.s32 $0x9ABCCDEF;
	s5 =	ssub.s32 $0x2, s6;
	s7 =	sshll.u32 s6, $0x6;
	_ =	strace $0x80000047  }
0x8: {  	v0 =	vunpack.c.l.s4.s8 v0;
	v1 =	vunpack.c.l.s4.s8 v1;
	s10 =	sshll.u32 s6, $0x10;
	s9 =	sshrl.u32 s5, $0x1;
	s7 =	sor.u32 s8, s7  }
0x9: {  	v2 =	vlaneseq.u32;
	s5 =	ssub.s32 s5, s9;
	s8 =	sxor.u32 $0x7FC, s7;
	s7 =	sxor.u32 $0x7DC, s7  }
0xa: {  	v2 =	vmul.u32 $0xFFFFFFFF, v2;
	v0 =	vunpack.c.0.s8.s32 v0;
	v1 =	vunpack.c.0.s8.s32 v1;
	s5 =	smax.u32 s5, $0x1;
	s8 =	sshrl.u32 s8, $0x2;
	s11 =	sshrl.u32 s7, $0x2  }
0xb: {  	s7 =	sor.u32 s10, s31;
	s10 =	simm.s32 $0x2;
	s6 =	sadd.s32 $0x80, s8  }
0xc: {  	v0 =	vcombine.low v1, v0;
	v1 =	vadd.s32 $0xF, v2;
	s8 =	sadd.s32 $0x80, s11;
	s9 =	sor.u32 $0x8000, s7;
	s11 =	simm.s32 $0x480  }
.LBB2_1:
0xd: {  	[tilespmem:s4], [sflag:$0x2] =	stream.linear.gather [hbm4b:s1+s4], $0x80, $0x38;
	[tilespmem:$0x2480] =	vst v63  }
0xe: {  	_ =	swait.ge [sflag:s10], $0x80  }
0xf: {  	[sflag:s10] =	ssyncset.done $0x0  }
0x10: {  	[sflag:s10] =	ssyncadd.s32 $0xFFFFFF80  }
0x11: {  	v2 =	vld [tilespmem:$0x10];
	_ =	sdelay $0x4  }
0x12: {  	v3 =	vbroadcast v2, $0xF;
	_ =	sdelay $0x1  }
0x13: {  	[tilespmem:$0x80] =	vst v3  }
0x14: {  	[tilespmem:$0x90] =	vst v3  }
0x15: {  	[tilespmem:$0xA0] =	vst v3  }
0x16: {  	[tilespmem:$0xB0] =	vst v3  }
0x17: {  	[tilespmem:$0xC0] =	vst v3  }
0x18: {  	[tilespmem:$0xD0] =	vst v3  }
0x19: {  	[tilespmem:$0xE0] =	vst v3  }
0x1a: {  	[tilespmem:$0xF0] =	vst v3  }
0x1b: {  	[tilespmem:$0x100] =	vst v3  }
0x1c: {  	[tilespmem:$0x110] =	vst v3  }
0x1d: {  	[tilespmem:$0x120] =	vst v3  }
0x1e: {  	[tilespmem:$0x130] =	vst v3  }
0x1f: {  	[tilespmem:$0x140] =	vst v3  }
0x20: {  	[tilespmem:$0x150] =	vst v3  }
0x21: {  	[tilespmem:$0x160] =	vst v3  }
0x22: {  	[tilespmem:$0x170] =	vst v3  }
0x23: {  	[tilespmem:$0x180] =	vst v3  }
0x24: {  	[tilespmem:$0x190] =	vst v3  }
0x25: {  	[tilespmem:$0x1A0] =	vst v3  }
0x26: {  	[tilespmem:$0x1B0] =	vst v3  }
0x27: {  	[tilespmem:$0x1C0] =	vst v3  }
0x28: {  	[tilespmem:$0x1D0] =	vst v3  }
0x29: {  	[tilespmem:$0x1E0] =	vst v3  }
0x2a: {  	[tilespmem:$0x1F0] =	vst v3  }
0x2b: {  	v4 =	vld [tilespmem:$0x0];
	[tilespmem:$0x200] =	vst v3  }
0x2c: {  	[tilespmem:$0x210] =	vst v3  }
0x2d: {  	[tilespmem:$0x220] =	vst v3  }
0x2e: {  	[tilespmem:$0x230] =	vst v3  }
0x2f: {  	v2 =	vperm.xlane v2, v0;
	[tilespmem:$0x240] =	vst v3  }
0x30: {  	[tilespmem:$0x250] =	vst v3;
	v3 =	vperm.xlane v4, v1  }
0x31: {  	[tilespmem:$0x260] =	vst v2;
	v2 =	vbroadcast v4, $0x0  }
0x32: {  	[tilespmem:$0x270] =	vst v3  }
0x33: {  	[tilespmem:$0x280] =	vst v2  }
0x34: {  	[tilespmem:$0x290] =	vst v2  }
0x35: {  	[tilespmem:$0x2A0] =	vst v2  }
0x36: {  	[tilespmem:$0x2B0] =	vst v2  }
0x37: {  	[tilespmem:$0x2C0] =	vst v2  }
0x38: {  	[tilespmem:$0x2D0] =	vst v2  }
0x39: {  	[tilespmem:$0x2E0] =	vst v2  }
0x3a: {  	[tilespmem:$0x2F0] =	vst v2  }
0x3b: {  	[tilespmem:$0x300] =	vst v2  }
0x3c: {  	[tilespmem:$0x310] =	vst v2  }
0x3d: {  	[tilespmem:$0x320] =	vst v2  }
0x3e: {  	[tilespmem:$0x330] =	vst v2  }
0x3f: {  	[tilespmem:$0x340] =	vst v2  }
0x40: {  	[tilespmem:$0x350] =	vst v2  }
0x41: {  	[tilespmem:$0x360] =	vst v2  }
0x42: {  	[tilespmem:$0x370] =	vst v2  }
0x43: {  	[tilespmem:$0x380] =	vst v2  }
0x44: {  	[tilespmem:$0x390] =	vst v2  }
0x45: {  	[tilespmem:$0x3A0] =	vst v2  }
0x46: {  	[tilespmem:$0x3B0] =	vst v2  }
0x47: {  	[tilespmem:$0x3C0] =	vst v2  }
0x48: {  	[tilespmem:$0x3D0] =	vst v2  }
0x49: {  	[tilespmem:$0x3E0] =	vst v2  }
0x4a: {  	[tilespmem:$0x3F0] =	vst v2  }
0x4b: {  	[tilespmem:$0x400] =	vst v2  }
0x4c: {  	[tilespmem:$0x410] =	vst v2  }
0x4d: {  	[tilespmem:$0x420] =	vst v2  }
0x4e: {  	[tilespmem:$0x430] =	vst v2  }
0x4f: {  	[tilespmem:$0x440] =	vst v2  }
0x50: {  	[tilespmem:$0x450] =	vst v2  }
0x51: {  	[tilespmem:$0x460] =	vst v2  }
0x52: {  	s15 =	smov.u32 s6;
	s16 =	simm.s32 $0x0;
	[tilespmem:$0x470] =	vst v2  }
.LBB2_2:
0x53: {  	s17 =	sshll.u32 s16, $0x9  }
0x54: {  	v2 =	vld [tilespmem:s15+$0x0];
	s18 =	sand.u32 $0xFFFFF000, s17;
	s17 =	sshra.s32 s17, $0x2  }
0x55: {  	s18 =	sadd.s32 s17, s18;
	s17 =	simm.s32 $0x0  }
0x56: {  	s18 =	sadd.s32 $0x480, s18;
	s19 =	sand.u32 $0xC00, s17  }
0x57: {  	s20 =	sand.u32 $0x70, s17;
	s19 =	sadd.s32 s19, s18  }
0x58: {  	s20 =	sadd.s32 s20, s19  }
0x59: {  	s19 =	simm.s32 $0x10;
	[tilespmem:s20+$0x0] =	vst v2;
	s20 =	sadd.s32 $0x10, s15  }
.LBB2_3:
0x5a: {  	v2 =	vld [tilespmem:s20+$0x0];
	p0 =	sne.s32 s19, $0x1F0;
	s21 =	smov.u32 s19;
	s19 =	sadd.s32 $0x10, s19  }
.Ltmp0:
0x5b: {  	s17 =	sadd.s32 $0x80, s17;
	(pc) =	sbr.rel @p0 .LBB2_3-.Ltmp0, $4  }
0x5c: {  	s22 =	sand.u32 $0xC00, s17  }
0x5d: {  	s21 =	sand.u32 $0x70, s21;
	s22 =	sadd.s32 s22, s18  }
0x5e: {  	s21 =	sadd.s32 s21, s22  }
0x5f: {  	s20 =	sadd.s32 $0x10, s20;
	[tilespmem:s21+$0x0] =	vst v2  }
0x60: {  	s16 =	sadd.s32 $0x1, s16  }
0x61: {  	p0 =	sne.s32 s16, $0x8  }
.Ltmp1:
0x62: {  	_ = 	snop;
	(pc) =	sbr.rel @p0 .LBB2_2-.Ltmp1, $2  }
0x63: {  	_ =	sdelay $0x2  }
0x64: {  	s15 =	sadd.s32 $0xFFFFFFFF, s15  }
0x65: {  	p0 =	por $0x0, $0x0  }
.Ltmp2:
0x66: {  	s15 =	simm.s32 $0x0;
	(pc) =	sbr.rel @p0 .LBB2_7-.Ltmp2, $3  }
0x67: {  	s15 =	smul.u32 $0x1F8000, s15;
	_ =	sdelay $0x1  }
0x68: {  	s16 =	sadd.s32 s15, s7  }
0x69: {  	s15 =	simm.s32 $0x1;
	s17 =	sshrl.u32 s16, $0x3;
	s16 =	smov.u32 s7  }
.LBB2_6:
0x6a: {  	s18 =	sshrl.u32 s15, $0x3;
	s17 =	sadd.s32 s2, s17;
	p0 =	seq.s32 s15, $0x3F  }
0x6b: {  	[hbm4b:s17+s4] =	stream.linear.scatter [tilespmem:s11], [sflag:$0x1], $0x1000, $0x38;
	[tilespmem:$0x2480] =	vst v63  }
.Ltmp3:
0x6c: {  	_ = 	snop;
	(pc) =	sbr.rel @!p0 .LBB2_6-.Ltmp3, $4  }
0x6d: {  	s15 =	sadd.s32 $0x1, s15;
	s17 =	smul.u32 $0x1F8000, s18  }
0x6e: {  	s16 =	sadd.s32 $0x1000, s16  }
0x6f: {  	s17 =	sadd.s32 s17, s16  }
0x70: {  	s17 =	sshrl.u32 s17, $0x3  }
.LBB2_7:
0x71: {  	s15 =	sadd.s32 s2, s17  }
0x72: {  	[hbm4b:s15+s4] =	stream.linear.scatter [tilespmem:s11], [sflag:$0x1], $0x1000, $0x38;
	[tilespmem:$0x2480] =	vst v63  }
0x73: {  	s16 =	smov.u32 s8;
	s15 =	simm.s32 $0x8  }
.LBB2_8:
0x74: {  	s17 =	sshll.u32 s15, $0x9;
	s18 =	sshll.u32 s15, $0x7  }
0x75: {  	v2 =	vld [tilespmem:s16+$0x0];
	s17 =	sand.u32 $0xFFFFF000, s17;
	s18 =	sand.u32 $0x380, s18  }
0x76: {  	s18 =	sor.u32 s18, s17;
	s17 =	simm.s32 $0x0  }
0x77: {  	s18 =	sadd.s32 $0x480, s18;
	s19 =	sand.u32 $0xC00, s17  }
0x78: {  	s20 =	sand.u32 $0x70, s17;
	s19 =	sadd.s32 s19, s18  }
0x79: {  	s20 =	sadd.s32 s20, s19  }
0x7a: {  	s19 =	simm.s32 $0x10;
	[tilespmem:s20+$0x0] =	vst v2;
	s20 =	sadd.s32 $0x10, s16  }
.LBB2_9:
0x7b: {  	v2 =	vld [tilespmem:s20+$0x0];
	p0 =	sne.s32 s19, $0x1F0;
	s21 =	smov.u32 s19;
	s19 =	sadd.s32 $0x10, s19  }
.Ltmp4:
0x7c: {  	s17 =	sadd.s32 $0x80, s17;
	(pc) =	sbr.rel @p0 .LBB2_9-.Ltmp4, $4  }
0x7d: {  	s22 =	sand.u32 $0xC00, s17  }
0x7e: {  	s21 =	sand.u32 $0x70, s21;
	s22 =	sadd.s32 s22, s18  }
0x7f: {  	s21 =	sadd.s32 s21, s22  }
0x80: {  	s20 =	sadd.s32 $0x10, s20;
	[tilespmem:s21+$0x0] =	vst v2  }
0x81: {  	s15 =	sadd.s32 $0x1, s15  }
0x82: {  	p0 =	sne.s32 s15, $0x10  }
.Ltmp5:
0x83: {  	_ = 	snop;
	(pc) =	sbr.rel @p0 .LBB2_8-.Ltmp5, $2  }
0x84: {  	_ =	sdelay $0x2  }
0x85: {  	s16 =	sadd.s32 $0xFFFFFFFF, s16  }
0x86: {  	s15 =	simm.s32 $0x0  }
0x87: {  	s15 =	smul.u32 $0x1F8000, s15;
	_ =	sdelay $0x1  }
0x88: {  	s16 =	sadd.s32 s15, s9  }
0x89: {  	s15 =	simm.s32 $0x1;
	s17 =	sshrl.u32 s16, $0x3;
	s16 =	smov.u32 s9  }
.LBB2_12:
0x8a: {  	s18 =	sshrl.u32 s15, $0x3;
	s17 =	sadd.s32 s2, s17;
	p0 =	seq.s32 s15, $0x3F  }
0x8b: {  	[hbm4b:s17+s4] =	stream.linear.scatter [tilespmem:s12], [sflag:$0x1], $0x1000, $0x38;
	[tilespmem:$0x2480] =	vst v63  }
.Ltmp6:
0x8c: {  	_ = 	snop;
	(pc) =	sbr.rel @!p0 .LBB2_12-.Ltmp6, $4  }
0x8d: {  	s15 =	sadd.s32 $0x1, s15;
	s17 =	smul.u32 $0x1F8000, s18  }
0x8e: {  	s16 =	sadd.s32 $0x1000, s16  }
0x8f: {  	s17 =	sadd.s32 s17, s16  }
0x90: {  	s17 =	sshrl.u32 s17, $0x3  }
0x91: {  	s15 =	sadd.s32 s2, s17  }
0x92: {  	[hbm4b:s15+s4] =	stream.linear.scatter [tilespmem:s12], [sflag:$0x1], $0x1000, $0x38;
	[tilespmem:$0x2480] =	vst v63  }
0x93: {  	_ =	swait.ge [sflag:s13], $0x1000  }
0x94: {  	s15 =	simm.s32 $0x3F;
	[sflag:s13] =	ssyncset.done $0x0  }
.LBB2_14:
0x95: {  	p0 =	sne.s32 s15, $0x1;
	s15 =	sadd.s32 $0xFFFFFFFF, s15;
	[sflag:s13] =	ssyncadd.s32 $0xFFFFF000  }
.Ltmp7:
0x96: {  	(pc) =	sbr.rel @p0 .LBB2_14-.Ltmp7, $3  }
0x97: {  	_ =	sdelay $0x1  }
0x98: {  	_ =	swait.ge [sflag:s13], $0x1000  }
0x99: {  	[sflag:s13] =	ssyncset.done $0x0  }
0x9a: {  	[sflag:s13] =	ssyncadd.s32 $0xFFFFF000  }
0x9b: {  	_ =	swait.ge [sflag:s13], $0x1000  }
0x9c: {  	s15 =	simm.s32 $0x3F;
	[sflag:s13] =	ssyncset.done $0x0  }
.LBB2_16:
0x9d: {  	p0 =	sne.s32 s15, $0x1;
	s15 =	sadd.s32 $0xFFFFFFFF, s15;
	[sflag:s13] =	ssyncadd.s32 $0xFFFFF000  }
.Ltmp8:
0x9e: {  	(pc) =	sbr.rel @p0 .LBB2_16-.Ltmp8, $3  }
0x9f: {  	_ =	sdelay $0x1  }
0xa0: {  	_ =	swait.ge [sflag:s13], $0x1000  }
0xa1: {  	[sflag:s13] =	ssyncset.done $0x0  }
0xa2: {  	s14 =	sadd.s32 $0x1, s14  }
0xa3: {  	p0 =	sne.s32 s14, s5  }
.Ltmp9:
0xa4: {  	_ = 	snop;
	(pc) =	sbr.rel @p0 .LBB2_1-.Ltmp9, $2  }
0xa5: {  	_ =	sdelay $0x2  }
0xa6: {  	[sflag:s13] =	ssyncadd.s32 $0xFFFFF000  }
0xa7: {  	_ =	sfence.sel $0x180000  }
0xa8: {  	[bflag:$0x0] =	sbarrier.arrive $0xFFFF  }
0xa9: {  	p0 =	sne.s32 s3, $0x0;
	_ =	strace $0x90000047  }
0xaa: {  	s0 =	sadd.s32 @!p0 $0x100000, s0;
	[bflag:$0x2] =	sbarrier.arrive $0xFFFF  }
0xab: {  	[sflag:s0] =	ssyncadd.tile.s32 @!p0 $0x1;
	_ =	shalt  }
.Lfunc_end2:
_tile_overlayer_lowered:
.L_overlay_start_2:
0xac: {  	(tag) =	ssettag $0x2  }
0xad: {  	s0 =	rddreg [dreg:$0x0];
	s2 =	stileid.u32  }
0xae: {  	s1 =	rddreg [dreg:$0x1];
	p0 =	sne.s32 s2, $0x0  }
0xaf: {  	s3 =	rddreg [dreg:$0x2];
	[bflag:$0x3] =	sbarrier.arrive $0xFFFF;
	s2 =	simm.s32 @!p0 $0x1C02  }
0xb0: {  	[timem:s3], [sflag:s2] =	dma.local @!p0 [hbm:s0], s1  }
0xb1: {  	s0 =	simm.s32 @!p0 $0x2  }
0xb2: {  	_ =	swait.ge @!p0 [sflag:s0], s1  }
0xb3: {  	s1 =	ssub.s32 @!p0 $0x0, s1;
	[sflag:s0] =	ssyncset.done @!p0 $0x0  }
0xb4: {  	[sflag:s0] =	ssyncadd.s32 @!p0 s1  }
0xb5: {  	[bflag:$0x3] =	sbarrier.arrive $0xFFFF  }
0xb6: {  	_ =	shalt  }

</sc_bundles>
